<compile_context>
chip_gen: v7x
topology: tpu7x:2x2x1
jax: 0.10.2.dev20260603
libtpu: 0.0.44.dev20260713+nightly
codegen_flags: <defaults>
</compile_context>

<pallas_src>
import functools

import jax
import jax.numpy as jnp
from jax import lax
from jax.experimental import pallas as pl
from jax.experimental.pallas import tpu as pltpu
from jax.experimental.pallas import tpu_sc as plsc

H, W, C = 32, 32, 3
HP, WP = H + 1, W + 1
LANES = 16
BLK = 128
GPB = BLK // LANES


def _sc_kernel(n_points, num_workers, cblk):
  nb = n_points // BLK
  bw = nb // num_workers
  n_chunks = bw // cblk

  mesh = plsc.VectorSubcoreMesh(
      core_axis_name="c", subcore_axis_name="s", num_cores=2, num_subcores=16)

  @functools.partial(
      pl.kernel,
      out_type=jax.ShapeDtypeStruct((nb * 4 * BLK,), jnp.float32),
      mesh=mesh,
      compiler_params=pltpu.CompilerParams(needs_layout_passes=False),
      scratch_types=[
          pltpu.VMEM((HP * WP,), jnp.float32),
          pltpu.VMEM((HP * WP,), jnp.float32),
          pltpu.VMEM((HP * WP,), jnp.float32),
          pltpu.VMEM((2, cblk * 2 * BLK), jnp.float32),
          pltpu.VMEM((2, cblk * 4 * BLK), jnp.float32),
          pltpu.SemaphoreType.DMA((2,)),
          pltpu.SemaphoreType.DMA((2,)),
      ],
  )
  def body(xs_hbm, tr_hbm, tg_hbm, tb_hbm, out_hbm,
           tr_v, tg_v, tb_v, xs_v, out_v, in_sems, out_sems):
    wid = lax.axis_index("s") * 2 + lax.axis_index("c")
    base_blk = wid * bw
    pltpu.sync_copy(tr_hbm, tr_v)
    pltpu.sync_copy(tg_hbm, tg_v)
    pltpu.sync_copy(tb_hbm, tb_v)

    def in_copy(ci, b):
      return pltpu.make_async_copy(
          xs_hbm.at[pl.ds((base_blk + ci * cblk) * (2 * BLK), cblk * 2 * BLK)],
          xs_v.at[b], in_sems.at[b])

    def out_copy(ci, b):
      return pltpu.make_async_copy(
          out_v.at[b],
          out_hbm.at[pl.ds((base_blk + ci * cblk) * (4 * BLK), cblk * 4 * BLK)],
          out_sems.at[b])

    in_copy(0, 0).start()
    in_copy(1, 1).start()

    def do_chunk(ci, b):
      in_copy(ci, b).wait()

      @pl.when(ci >= 2)
      def _():
        out_copy(ci - 2, b).wait()

      xbuf = xs_v.at[b]
      obuf = out_v.at[b]

      @functools.partial(plsc.parallel_loop, 0, cblk, unroll=2)
      def _blk(blk):
        xo = blk * (2 * BLK)
        oo = blk * (4 * BLK)
        for l in range(GPB):
          x = xbuf[pl.ds(xo + l * LANES, LANES)]
          y = xbuf[pl.ds(xo + BLK + l * LANES, LANES)]
          xp = x * float(W)
          yp = y * float(H)
          xi = xp.astype(jnp.int32)
          yi = yp.astype(jnp.int32)
          wx = xp - xi.astype(jnp.float32)
          wy = yp - yi.astype(jnp.float32)
          q00 = yi * WP + xi
          q10 = q00 + 1
          q01 = q00 + WP
          q11 = q00 + (WP + 1)
          gx = jnp.float32(1.0) - wx
          gy = jnp.float32(1.0) - wy
          w00 = gx * gy
          w10 = wx * gy
          w01 = gx * wy
          w11 = wx * wy
          for c, t in ((0, tr_v), (1, tg_v), (2, tb_v)):
            v00 = plsc.load_gather(t, [q00])
            v10 = plsc.load_gather(t, [q10])
            v01 = plsc.load_gather(t, [q01])
            v11 = plsc.load_gather(t, [q11])
            r = w00 * v00 + w10 * v10 + w01 * v01 + w11 * v11
            obuf[pl.ds(oo + c * BLK + l * LANES, LANES)] = r

      out_copy(ci, b).start()

      @pl.when(ci + 2 < n_chunks)
      def _():
        in_copy(ci + 2, b).start()

      return 0

    def outer(cio, carry):
      do_chunk(cio * 2, 0)
      do_chunk(cio * 2 + 1, 1)
      return carry

    lax.fori_loop(0, n_chunks // 2, outer, 0)
    out_copy(n_chunks - 2, 0).wait()
    out_copy(n_chunks - 1, 1).wait()

  return body


def kernel(xs, data):
  n = xs.shape[0]
  num_workers = 32
  cblk = 64
  nb = n // BLK
  assert n % (num_workers * 2 * cblk * BLK) == 0
  xst = jnp.transpose(xs.reshape(nb, BLK, 2), (0, 2, 1)).reshape(-1)
  padded = jnp.pad(data, ((0, 1), (0, 1), (0, 0)), mode="edge")
  tabs = [padded[:, :, c].reshape(-1) for c in range(C)]
  out_flat = _sc_kernel(n, num_workers, cblk)(xst, *tabs)
  out3 = out_flat.reshape(nb, 4, BLK)
  return jnp.transpose(out3, (0, 2, 1))[:, :, :C].reshape(n, C)

# --- scband reference (transcript-rebuilt; emitter-appended) ---
"""Pipeline reference for scband-cifarimage-73254962200633 (READ-ONLY COPY).

The authoritative reference and input builder live on the scoring server;
editing this copy changes nothing except your own understanding.
"""

import jax, jax.numpy as jnp
import numpy as np

H, W, C = 32, 32, 3
N = 8388608

def setup_inputs(seed: int = 0) -> dict:
    key = jax.random.key(seed)
    k1, k2 = jax.random.split(key)
    xs = jax.random.uniform(k1, (N, 2), dtype=jnp.float32)
    data = jax.random.uniform(k2, (H, W, C), dtype=jnp.float32)
    return {"xs": xs, "data": data}

def reference(xs, data):
    Hh, Ww, Cc = data.shape
    scale = jnp.array([Ww, Hh], dtype=jnp.float32)
    xs_pix = xs * scale
    indices = xs_pix.astype(jnp.int32)
    lerp_weights = xs_pix - indices.astype(jnp.float32)
    x0 = jnp.clip(indices[:, 0], 0, Ww - 1)
    y0 = jnp.clip(indices[:, 1], 0, Hh - 1)
    x1 = jnp.minimum(x0 + 1, Ww - 1)
    y1 = jnp.minimum(y0 + 1, Hh - 1)
    c00 = data[y0, x0]
    c10 = data[y0, x1]
    c01 = data[y1, x0]
    c11 = data[y1, x1]
    wx = lerp_weights[:, 0:1]
    wy = lerp_weights[:, 1:2]
    out = (c00 * (1.0 - wx) * (1.0 - wy)
           + c10 * wx * (1.0 - wy)
           + c01 * (1.0 - wx) * wy
           + c11 * wx * wy)
    return out

if __name__ == "__main__":
    import jax
    _d = setup_inputs()
    print(jax.jit(kernel)(*tuple(_d.values())))

</pallas_src>

<mosaic_0001>
#map = affine_map<(d0, d1) -> (0)>
module attributes {stable_mosaic.version = 14 : i64} {
  func.func @body(%arg0: i32, %arg1: i32, %arg2: memref<16777216xf32, #tpu.memory_space<hbm>>, %arg3: memref<1089xf32, #tpu.memory_space<hbm>>, %arg4: memref<1089xf32, #tpu.memory_space<hbm>>, %arg5: memref<1089xf32, #tpu.memory_space<hbm>>, %arg6: memref<33554432xf32, #tpu.memory_space<hbm>>, %arg7: memref<1089xf32, #tpu.memory_space<vmem>>, %arg8: memref<1089xf32, #tpu.memory_space<vmem>>, %arg9: memref<1089xf32, #tpu.memory_space<vmem>>, %arg10: memref<2x16384xf32, #tpu.memory_space<vmem>>, %arg11: memref<2x32768xf32, #tpu.memory_space<vmem>>, %arg12: memref<2x!tpu.dma_semaphore, #tpu.memory_space<semaphore_mem>>, %arg13: memref<2x!tpu.dma_semaphore, #tpu.memory_space<semaphore_mem>>) attributes {dimension_semantics = [#tpu.dimension_semantics<core_parallel>, #tpu.dimension_semantics<subcore_parallel>], iteration_bounds = array<i64: 2, 16>, scalar_prefetch = 0 : i64, scratch_operands = 7 : i64, tpu.core_type = #tpu.core_type<sc_vector_subcore>, window_params = [{transform_indices = #map}, {transform_indices = #map}, {transform_indices = #map}, {transform_indices = #map}, {transform_indices = #map}]} {
    %mul3A = arith.constant 2 : i32
    %mul3A_0 = arith.muli %arg1, %mul3A : i32
    %add3A = arith.addi %mul3A_0, %arg0 : i32
    %mul3A_1 = arith.constant 2048 : i32
    %mul3A_2 = arith.muli %add3A, %mul3A_1 : i32
    "tpu.region"() ({
      %run_scoped3A = tpu.sem_alloc : memref<!tpu.dma_semaphore, #tpu.memory_space<semaphore_mem>>
      tpu.enqueue_dma source(%arg3 : memref<1089xf32, #tpu.memory_space<hbm>>) target(%arg7 : memref<1089xf32, #tpu.memory_space<vmem>>) target_semaphore(%run_scoped3A : memref<!tpu.dma_semaphore, #tpu.memory_space<semaphore_mem>>)
      tpu.wait_dma2 semaphore(%run_scoped3A : memref<!tpu.dma_semaphore, #tpu.memory_space<semaphore_mem>>) src(%arg3 : memref<1089xf32, #tpu.memory_space<hbm>>) dst(%arg7 : memref<1089xf32, #tpu.memory_space<vmem>>)
      tpu.yield
    }) : () -> ()
    "tpu.region"() ({
      %run_scoped3A = tpu.sem_alloc : memref<!tpu.dma_semaphore, #tpu.memory_space<semaphore_mem>>
      tpu.enqueue_dma source(%arg4 : memref<1089xf32, #tpu.memory_space<hbm>>) target(%arg8 : memref<1089xf32, #tpu.memory_space<vmem>>) target_semaphore(%run_scoped3A : memref<!tpu.dma_semaphore, #tpu.memory_space<semaphore_mem>>)
      tpu.wait_dma2 semaphore(%run_scoped3A : memref<!tpu.dma_semaphore, #tpu.memory_space<semaphore_mem>>) src(%arg4 : memref<1089xf32, #tpu.memory_space<hbm>>) dst(%arg8 : memref<1089xf32, #tpu.memory_space<vmem>>)
      tpu.yield
    }) : () -> ()
    "tpu.region"() ({
      %run_scoped3A = tpu.sem_alloc : memref<!tpu.dma_semaphore, #tpu.memory_space<semaphore_mem>>
      tpu.enqueue_dma source(%arg5 : memref<1089xf32, #tpu.memory_space<hbm>>) target(%arg9 : memref<1089xf32, #tpu.memory_space<vmem>>) target_semaphore(%run_scoped3A : memref<!tpu.dma_semaphore, #tpu.memory_space<semaphore_mem>>)
      tpu.wait_dma2 semaphore(%run_scoped3A : memref<!tpu.dma_semaphore, #tpu.memory_space<semaphore_mem>>) src(%arg5 : memref<1089xf32, #tpu.memory_space<hbm>>) dst(%arg9 : memref<1089xf32, #tpu.memory_space<vmem>>)
      tpu.yield
    }) : () -> ()
    %add3A_3 = arith.constant 0 : i32
    %add3A_4 = arith.addi %mul3A_2, %add3A_3 : i32
    %mul3A_5 = arith.constant 256 : i32
    %mul3A_6 = arith.muli %add3A_4, %mul3A_5 : i32
    %dma_start3A = arith.constant 0 : i32
    %dma_start3A_7 = arith.constant 0 : i32
    %dma_start3A_8 = arith.constant 0 : i32
    %dma_start3A_9 = tpu.memref_slice %arg10[%dma_start3A, %dma_start3A_8] : memref<2x16384xf32, #tpu.memory_space<vmem>> -> memref<1x16384xf32, #tpu.memory_space<vmem>>
    %dma_start3A_10 = tpu.memref_squeeze %dma_start3A_9 : memref<1x16384xf32, #tpu.memory_space<vmem>> -> memref<16384xf32, #tpu.memory_space<vmem>>
    %dma_start3A_11 = tpu.memref_slice %arg2[%mul3A_6] : memref<16777216xf32, #tpu.memory_space<hbm>> -> memref<16384xf32, #tpu.memory_space<hbm>>
    %dma_start3A_12 = tpu.memref_slice %arg12[%dma_start3A_7] : memref<2x!tpu.dma_semaphore, #tpu.memory_space<semaphore_mem>> -> memref<1x!tpu.dma_semaphore, #tpu.memory_space<semaphore_mem>>
    %dma_start3A_13 = tpu.memref_squeeze %dma_start3A_12 : memref<1x!tpu.dma_semaphore, #tpu.memory_space<semaphore_mem>> -> memref<!tpu.dma_semaphore, #tpu.memory_space<semaphore_mem>>
    %dma_start3A_14 = arith.constant 0 : i32
    %dma_start3A_15 = tpu.memref_slice %arg10[%dma_start3A, %dma_start3A_14] : memref<2x16384xf32, #tpu.memory_space<vmem>> -> memref<1x16384xf32, #tpu.memory_space<vmem>>
    %dma_start3A_16 = tpu.memref_squeeze %dma_start3A_15 : memref<1x16384xf32, #tpu.memory_space<vmem>> -> memref<16384xf32, #tpu.memory_space<vmem>>
    %dma_start3A_17 = tpu.memref_slice %arg2[%mul3A_6] : memref<16777216xf32, #tpu.memory_space<hbm>> -> memref<16384xf32, #tpu.memory_space<hbm>>
    tpu.enqueue_dma source(%dma_start3A_17 : memref<16384xf32, #tpu.memory_space<hbm>>) target(%dma_start3A_16 : memref<16384xf32, #tpu.memory_space<vmem>>) target_semaphore(%dma_start3A_13 : memref<!tpu.dma_semaphore, #tpu.memory_space<semaphore_mem>>)
    %add3A_18 = arith.constant 64 : i32
    %add3A_19 = arith.addi %mul3A_2, %add3A_18 : i32
    %mul3A_20 = arith.constant 256 : i32
    %mul3A_21 = arith.muli %add3A_19, %mul3A_20 : i32
    %dma_start3A_22 = arith.constant 1 : i32
    %dma_start3A_23 = arith.constant 1 : i32
    %dma_start3A_24 = arith.constant 0 : i32
    %dma_start3A_25 = tpu.memref_slice %arg10[%dma_start3A_22, %dma_start3A_24] : memref<2x16384xf32, #tpu.memory_space<vmem>> -> memref<1x16384xf32, #tpu.memory_space<vmem>>
    %dma_start3A_26 = tpu.memref_squeeze %dma_start3A_25 : memref<1x16384xf32, #tpu.memory_space<vmem>> -> memref<16384xf32, #tpu.memory_space<vmem>>
    %dma_start3A_27 = tpu.memref_slice %arg2[%mul3A_21] : memref<16777216xf32, #tpu.memory_space<hbm>> -> memref<16384xf32, #tpu.memory_space<hbm>>
    %dma_start3A_28 = tpu.memref_slice %arg12[%dma_start3A_23] : memref<2x!tpu.dma_semaphore, #tpu.memory_space<semaphore_mem>> -> memref<1x!tpu.dma_semaphore, #tpu.memory_space<semaphore_mem>>
    %dma_start3A_29 = tpu.memref_squeeze %dma_start3A_28 : memref<1x!tpu.dma_semaphore, #tpu.memory_space<semaphore_mem>> -> memref<!tpu.dma_semaphore, #tpu.memory_space<semaphore_mem>>
    %dma_start3A_30 = arith.constant 0 : i32
    %dma_start3A_31 = tpu.memref_slice %arg10[%dma_start3A_22, %dma_start3A_30] : memref<2x16384xf32, #tpu.memory_space<vmem>> -> memref<1x16384xf32, #tpu.memory_space<vmem>>
    %dma_start3A_32 = tpu.memref_squeeze %dma_start3A_31 : memref<1x16384xf32, #tpu.memory_space<vmem>> -> memref<16384xf32, #tpu.memory_space<vmem>>
    %dma_start3A_33 = tpu.memref_slice %arg2[%mul3A_21] : memref<16777216xf32, #tpu.memory_space<hbm>> -> memref<16384xf32, #tpu.memory_space<hbm>>
    tpu.enqueue_dma source(%dma_start3A_33 : memref<16384xf32, #tpu.memory_space<hbm>>) target(%dma_start3A_32 : memref<16384xf32, #tpu.memory_space<vmem>>) target_semaphore(%dma_start3A_29 : memref<!tpu.dma_semaphore, #tpu.memory_space<semaphore_mem>>)
    %scan3A = arith.constant 0 : i32
    %scan3A_34 = arith.constant 0 : i32
    %scan3A_35 = arith.constant 16 : i32
    %scan3A_36 = arith.addi %scan3A_34, %scan3A_35 : i32
    %scan3A_37 = arith.constant 1 : i32
    scf.for %scan3A_70 = %scan3A_34 to %scan3A_36 step %scan3A_37  : i32 {
      %mul3A_71 = arith.constant 2 : i32
      %mul3A_72 = arith.muli %scan3A_70, %mul3A_71 : i32
      %mul3A_73 = arith.constant 64 : i32
      %mul3A_74 = arith.muli %mul3A_72, %mul3A_73 : i32
      %add3A_75 = arith.addi %mul3A_2, %mul3A_74 : i32
      %mul3A_76 = arith.constant 256 : i32
      %mul3A_77 = arith.muli %add3A_75, %mul3A_76 : i32
      %dma_wait3A_78 = arith.constant 0 : i32
      %dma_wait3A_79 = arith.constant 0 : i32
      %dma_wait3A_80 = arith.constant 0 : i32
      %dma_wait3A_81 = tpu.memref_slice %arg10[%dma_wait3A_78, %dma_wait3A_80] : memref<2x16384xf32, #tpu.memory_space<vmem>> -> memref<1x16384xf32, #tpu.memory_space<vmem>>
      %dma_wait3A_82 = tpu.memref_squeeze %dma_wait3A_81 : memref<1x16384xf32, #tpu.memory_space<vmem>> -> memref<16384xf32, #tpu.memory_space<vmem>>
      %dma_wait3A_83 = tpu.memref_slice %arg2[%mul3A_77] : memref<16777216xf32, #tpu.memory_space<hbm>> -> memref<16384xf32, #tpu.memory_space<hbm>>
      %dma_wait3A_84 = tpu.memref_slice %arg12[%dma_wait3A_79] : memref<2x!tpu.dma_semaphore, #tpu.memory_space<semaphore_mem>> -> memref<1x!tpu.dma_semaphore, #tpu.memory_space<semaphore_mem>>
      %dma_wait3A_85 = tpu.memref_squeeze %dma_wait3A_84 : memref<1x!tpu.dma_semaphore, #tpu.memory_space<semaphore_mem>> -> memref<!tpu.dma_semaphore, #tpu.memory_space<semaphore_mem>>
      %dma_wait3A_86 = arith.constant 0 : i32
      %dma_wait3A_87 = tpu.memref_slice %arg10[%dma_wait3A_78, %dma_wait3A_86] : memref<2x16384xf32, #tpu.memory_space<vmem>> -> memref<1x16384xf32, #tpu.memory_space<vmem>>
      %dma_wait3A_88 = tpu.memref_squeeze %dma_wait3A_87 : memref<1x16384xf32, #tpu.memory_space<vmem>> -> memref<16384xf32, #tpu.memory_space<vmem>>
      %dma_wait3A_89 = tpu.memref_slice %arg2[%mul3A_77] : memref<16777216xf32, #tpu.memory_space<hbm>> -> memref<16384xf32, #tpu.memory_space<hbm>>
      tpu.wait_dma2 semaphore(%dma_wait3A_85 : memref<!tpu.dma_semaphore, #tpu.memory_space<semaphore_mem>>) src(%dma_wait3A_89 : memref<16384xf32, #tpu.memory_space<hbm>>) dst(%dma_wait3A_88 : memref<16384xf32, #tpu.memory_space<vmem>>)
      %ge3A = arith.constant 2 : i32
      %ge3A_90 = arith.cmpi sge, %mul3A_72, %ge3A : i32
      %convert_element_type3A = arith.extui %ge3A_90 : i1 to i32
      %cond3A = arith.constant 0 : i32
      %cond3A_91 = arith.cmpi ne, %convert_element_type3A, %cond3A : i32
      scf.if %cond3A_91 {
        %sub3A = arith.constant 2 : i32
        %sub3A_165 = arith.subi %mul3A_72, %sub3A : i32
        %mul3A_166 = arith.constant 64 : i32
        %mul3A_167 = arith.muli %sub3A_165, %mul3A_166 : i32
        %add3A_168 = arith.addi %mul3A_2, %mul3A_167 : i32
        %mul3A_169 = arith.constant 512 : i32
        %mul3A_170 = arith.muli %add3A_168, %mul3A_169 : i32
        %dma_wait3A_171 = arith.constant 0 : i32
        %dma_wait3A_172 = arith.constant 0 : i32
        %dma_wait3A_173 = arith.constant 0 : i32
        %dma_wait3A_174 = tpu.memref_slice %arg11[%dma_wait3A_171, %dma_wait3A_173] : memref<2x32768xf32, #tpu.memory_space<vmem>> -> memref<1x32768xf32, #tpu.memory_space<vmem>>
        %dma_wait3A_175 = tpu.memref_squeeze %dma_wait3A_174 : memref<1x32768xf32, #tpu.memory_space<vmem>> -> memref<32768xf32, #tpu.memory_space<vmem>>
        %dma_wait3A_176 = tpu.memref_slice %arg6[%mul3A_170] : memref<33554432xf32, #tpu.memory_space<hbm>> -> memref<32768xf32, #tpu.memory_space<hbm>>
        %dma_wait3A_177 = tpu.memref_slice %arg13[%dma_wait3A_172] : memref<2x!tpu.dma_semaphore, #tpu.memory_space<semaphore_mem>> -> memref<1x!tpu.dma_semaphore, #tpu.memory_space<semaphore_mem>>
        %dma_wait3A_178 = tpu.memref_squeeze %dma_wait3A_177 : memref<1x!tpu.dma_semaphore, #tpu.memory_space<semaphore_mem>> -> memref<!tpu.dma_semaphore, #tpu.memory_space<semaphore_mem>>
        %dma_wait3A_179 = tpu.memref_slice %arg6[%mul3A_170] : memref<33554432xf32, #tpu.memory_space<hbm>> -> memref<32768xf32, #tpu.memory_space<hbm>>
        %dma_wait3A_180 = arith.constant 0 : i32
        %dma_wait3A_181 = tpu.memref_slice %arg11[%dma_wait3A_171, %dma_wait3A_180] : memref<2x32768xf32, #tpu.memory_space<vmem>> -> memref<1x32768xf32, #tpu.memory_space<vmem>>
        %dma_wait3A_182 = tpu.memref_squeeze %dma_wait3A_181 : memref<1x32768xf32, #tpu.memory_space<vmem>> -> memref<32768xf32, #tpu.memory_space<vmem>>
        tpu.wait_dma2 semaphore(%dma_wait3A_178 : memref<!tpu.dma_semaphore, #tpu.memory_space<semaphore_mem>>) src(%dma_wait3A_182 : memref<32768xf32, #tpu.memory_space<vmem>>) dst(%dma_wait3A_179 : memref<32768xf32, #tpu.memory_space<hbm>>)
      } else {
      }
      %mul3A_92 = arith.constant 64 : i32
      %mul3A_93 = arith.muli %mul3A_72, %mul3A_92 : i32
      %add3A_94 = arith.addi %mul3A_2, %mul3A_93 : i32
      %mul3A_95 = arith.constant 512 : i32
      %mul3A_96 = arith.muli %add3A_94, %mul3A_95 : i32
      %dma_start3A_97 = arith.constant 0 : i32
      %dma_start3A_98 = arith.constant 0 : i32
      %dma_start3A_99 = arith.constant 0 : i32
      %dma_start3A_100 = tpu.memref_slice %arg11[%dma_start3A_97, %dma_start3A_99] : memref<2x32768xf32, #tpu.memory_space<vmem>> -> memref<1x32768xf32, #tpu.memory_space<vmem>>
      %dma_start3A_101 = tpu.memref_squeeze %dma_start3A_100 : memref<1x32768xf32, #tpu.memory_space<vmem>> -> memref<32768xf32, #tpu.memory_space<vmem>>
      %dma_start3A_102 = tpu.memref_slice %arg6[%mul3A_96] : memref<33554432xf32, #tpu.memory_space<hbm>> -> memref<32768xf32, #tpu.memory_space<hbm>>
      %dma_start3A_103 = tpu.memref_slice %arg13[%dma_start3A_98] : memref<2x!tpu.dma_semaphore, #tpu.memory_space<semaphore_mem>> -> memref<1x!tpu.dma_semaphore, #tpu.memory_space<semaphore_mem>>
      %dma_start3A_104 = tpu.memref_squeeze %dma_start3A_103 : memref<1x!tpu.dma_semaphore, #tpu.memory_space<semaphore_mem>> -> memref<!tpu.dma_semaphore, #tpu.memory_space<semaphore_mem>>
      %dma_start3A_105 = tpu.memref_slice %arg6[%mul3A_96] : memref<33554432xf32, #tpu.memory_space<hbm>> -> memref<32768xf32, #tpu.memory_space<hbm>>
      %dma_start3A_106 = arith.constant 0 : i32
      %dma_start3A_107 = tpu.memref_slice %arg11[%dma_start3A_97, %dma_start3A_106] : memref<2x32768xf32, #tpu.memory_space<vmem>> -> memref<1x32768xf32, #tpu.memory_space<vmem>>
      %dma_start3A_108 = tpu.memref_squeeze %dma_start3A_107 : memref<1x32768xf32, #tpu.memory_space<vmem>> -> memref<32768xf32, #tpu.memory_space<vmem>>
      tpu.enqueue_dma source(%dma_start3A_108 : memref<32768xf32, #tpu.memory_space<vmem>>) target(%dma_start3A_105 : memref<32768xf32, #tpu.memory_space<hbm>>) target_semaphore(%dma_start3A_104 : memref<!tpu.dma_semaphore, #tpu.memory_space<semaphore_mem>>)
      %add3A_109 = arith.constant 2 : i32
      %add3A_110 = arith.addi %mul3A_72, %add3A_109 : i32
      %lt3A = arith.constant 32 : i32
      %lt3A_111 = arith.cmpi slt, %add3A_110, %lt3A : i32
      %convert_element_type3A_112 = arith.extui %lt3A_111 : i1 to i32
      %cond3A_113 = arith.constant 0 : i32
      %cond3A_114 = arith.cmpi ne, %convert_element_type3A_112, %cond3A_113 : i32
      scf.if %cond3A_114 {
        %add3A_165 = arith.constant 2 : i32
        %add3A_166 = arith.addi %mul3A_72, %add3A_165 : i32
        %mul3A_167 = arith.constant 64 : i32
        %mul3A_168 = arith.muli %add3A_166, %mul3A_167 : i32
        %add3A_169 = arith.addi %mul3A_2, %mul3A_168 : i32
        %mul3A_170 = arith.constant 256 : i32
        %mul3A_171 = arith.muli %add3A_169, %mul3A_170 : i32
        %dma_start3A_172 = arith.constant 0 : i32
        %dma_start3A_173 = arith.constant 0 : i32
        %dma_start3A_174 = arith.constant 0 : i32
        %dma_start3A_175 = tpu.memref_slice %arg10[%dma_start3A_172, %dma_start3A_174] : memref<2x16384xf32, #tpu.memory_space<vmem>> -> memref<1x16384xf32, #tpu.memory_space<vmem>>
        %dma_start3A_176 = tpu.memref_squeeze %dma_start3A_175 : memref<1x16384xf32, #tpu.memory_space<vmem>> -> memref<16384xf32, #tpu.memory_space<vmem>>
        %dma_start3A_177 = tpu.memref_slice %arg2[%mul3A_171] : memref<16777216xf32, #tpu.memory_space<hbm>> -> memref<16384xf32, #tpu.memory_space<hbm>>
        %dma_start3A_178 = tpu.memref_slice %arg12[%dma_start3A_173] : memref<2x!tpu.dma_semaphore, #tpu.memory_space<semaphore_mem>> -> memref<1x!tpu.dma_semaphore, #tpu.memory_space<semaphore_mem>>
        %dma_start3A_179 = tpu.memref_squeeze %dma_start3A_178 : memref<1x!tpu.dma_semaphore, #tpu.memory_space<semaphore_mem>> -> memref<!tpu.dma_semaphore, #tpu.memory_space<semaphore_mem>>
        %dma_start3A_180 = arith.constant 0 : i32
        %dma_start3A_181 = tpu.memref_slice %arg10[%dma_start3A_172, %dma_start3A_180] : memref<2x16384xf32, #tpu.memory_space<vmem>> -> memref<1x16384xf32, #tpu.memory_space<vmem>>
        %dma_start3A_182 = tpu.memref_squeeze %dma_start3A_181 : memref<1x16384xf32, #tpu.memory_space<vmem>> -> memref<16384xf32, #tpu.memory_space<vmem>>
        %dma_start3A_183 = tpu.memref_slice %arg2[%mul3A_171] : memref<16777216xf32, #tpu.memory_space<hbm>> -> memref<16384xf32, #tpu.memory_space<hbm>>
        tpu.enqueue_dma source(%dma_start3A_183 : memref<16384xf32, #tpu.memory_space<hbm>>) target(%dma_start3A_182 : memref<16384xf32, #tpu.memory_space<vmem>>) target_semaphore(%dma_start3A_179 : memref<!tpu.dma_semaphore, #tpu.memory_space<semaphore_mem>>)
      } else {
      }
      %mul3A_115 = arith.constant 2 : i32
      %mul3A_116 = arith.muli %scan3A_70, %mul3A_115 : i32
      %add3A_117 = arith.constant 1 : i32
      %add3A_118 = arith.addi %mul3A_116, %add3A_117 : i32
      %mul3A_119 = arith.constant 64 : i32
      %mul3A_120 = arith.muli %add3A_118, %mul3A_119 : i32
      %add3A_121 = arith.addi %mul3A_2, %mul3A_120 : i32
      %mul3A_122 = arith.constant 256 : i32
      %mul3A_123 = arith.muli %add3A_121, %mul3A_122 : i32
      %dma_wait3A_124 = arith.constant 1 : i32
      %dma_wait3A_125 = arith.constant 1 : i32
      %dma_wait3A_126 = arith.constant 0 : i32
      %dma_wait3A_127 = tpu.memref_slice %arg10[%dma_wait3A_124, %dma_wait3A_126] : memref<2x16384xf32, #tpu.memory_space<vmem>> -> memref<1x16384xf32, #tpu.memory_space<vmem>>
      %dma_wait3A_128 = tpu.memref_squeeze %dma_wait3A_127 : memref<1x16384xf32, #tpu.memory_space<vmem>> -> memref<16384xf32, #tpu.memory_space<vmem>>
      %dma_wait3A_129 = tpu.memref_slice %arg2[%mul3A_123] : memref<16777216xf32, #tpu.memory_space<hbm>> -> memref<16384xf32, #tpu.memory_space<hbm>>
      %dma_wait3A_130 = tpu.memref_slice %arg12[%dma_wait3A_125] : memref<2x!tpu.dma_semaphore, #tpu.memory_space<semaphore_mem>> -> memref<1x!tpu.dma_semaphore, #tpu.memory_space<semaphore_mem>>
      %dma_wait3A_131 = tpu.memref_squeeze %dma_wait3A_130 : memref<1x!tpu.dma_semaphore, #tpu.memory_space<semaphore_mem>> -> memref<!tpu.dma_semaphore, #tpu.memory_space<semaphore_mem>>
      %dma_wait3A_132 = arith.constant 0 : i32
      %dma_wait3A_133 = tpu.memref_slice %arg10[%dma_wait3A_124, %dma_wait3A_132] : memref<2x16384xf32, #tpu.memory_space<vmem>> -> memref<1x16384xf32, #tpu.memory_space<vmem>>
      %dma_wait3A_134 = tpu.memref_squeeze %dma_wait3A_133 : memref<1x16384xf32, #tpu.memory_space<vmem>> -> memref<16384xf32, #tpu.memory_space<vmem>>
      %dma_wait3A_135 = tpu.memref_slice %arg2[%mul3A_123] : memref<16777216xf32, #tpu.memory_space<hbm>> -> memref<16384xf32, #tpu.memory_space<hbm>>
      tpu.wait_dma2 semaphore(%dma_wait3A_131 : memref<!tpu.dma_semaphore, #tpu.memory_space<semaphore_mem>>) src(%dma_wait3A_135 : memref<16384xf32, #tpu.memory_space<hbm>>) dst(%dma_wait3A_134 : memref<16384xf32, #tpu.memory_space<vmem>>)
      %ge3A_136 = arith.constant 2 : i32
      %ge3A_137 = arith.cmpi sge, %add3A_118, %ge3A_136 : i32
      %convert_element_type3A_138 = arith.extui %ge3A_137 : i1 to i32
      %cond3A_139 = arith.constant 0 : i32
      %cond3A_140 = arith.cmpi ne, %convert_element_type3A_138, %cond3A_139 : i32
      scf.if %cond3A_140 {
        %sub3A = arith.constant 2 : i32
        %sub3A_165 = arith.subi %add3A_118, %sub3A : i32
        %mul3A_166 = arith.constant 64 : i32
        %mul3A_167 = arith.muli %sub3A_165, %mul3A_166 : i32
        %add3A_168 = arith.addi %mul3A_2, %mul3A_167 : i32
        %mul3A_169 = arith.constant 512 : i32
        %mul3A_170 = arith.muli %add3A_168, %mul3A_169 : i32
        %dma_wait3A_171 = arith.constant 1 : i32
        %dma_wait3A_172 = arith.constant 1 : i32
        %dma_wait3A_173 = arith.constant 0 : i32
        %dma_wait3A_174 = tpu.memref_slice %arg11[%dma_wait3A_171, %dma_wait3A_173] : memref<2x32768xf32, #tpu.memory_space<vmem>> -> memref<1x32768xf32, #tpu.memory_space<vmem>>
        %dma_wait3A_175 = tpu.memref_squeeze %dma_wait3A_174 : memref<1x32768xf32, #tpu.memory_space<vmem>> -> memref<32768xf32, #tpu.memory_space<vmem>>
        %dma_wait3A_176 = tpu.memref_slice %arg6[%mul3A_170] : memref<33554432xf32, #tpu.memory_space<hbm>> -> memref<32768xf32, #tpu.memory_space<hbm>>
        %dma_wait3A_177 = tpu.memref_slice %arg13[%dma_wait3A_172] : memref<2x!tpu.dma_semaphore, #tpu.memory_space<semaphore_mem>> -> memref<1x!tpu.dma_semaphore, #tpu.memory_space<semaphore_mem>>
        %dma_wait3A_178 = tpu.memref_squeeze %dma_wait3A_177 : memref<1x!tpu.dma_semaphore, #tpu.memory_space<semaphore_mem>> -> memref<!tpu.dma_semaphore, #tpu.memory_space<semaphore_mem>>
        %dma_wait3A_179 = tpu.memref_slice %arg6[%mul3A_170] : memref<33554432xf32, #tpu.memory_space<hbm>> -> memref<32768xf32, #tpu.memory_space<hbm>>
        %dma_wait3A_180 = arith.constant 0 : i32
        %dma_wait3A_181 = tpu.memref_slice %arg11[%dma_wait3A_171, %dma_wait3A_180] : memref<2x32768xf32, #tpu.memory_space<vmem>> -> memref<1x32768xf32, #tpu.memory_space<vmem>>
        %dma_wait3A_182 = tpu.memref_squeeze %dma_wait3A_181 : memref<1x32768xf32, #tpu.memory_space<vmem>> -> memref<32768xf32, #tpu.memory_space<vmem>>
        tpu.wait_dma2 semaphore(%dma_wait3A_178 : memref<!tpu.dma_semaphore, #tpu.memory_space<semaphore_mem>>) src(%dma_wait3A_182 : memref<32768xf32, #tpu.memory_space<vmem>>) dst(%dma_wait3A_179 : memref<32768xf32, #tpu.memory_space<hbm>>)
      } else {
      }
      %mul3A_141 = arith.constant 64 : i32
      %mul3A_142 = arith.muli %add3A_118, %mul3A_141 : i32
      %add3A_143 = arith.addi %mul3A_2, %mul3A_142 : i32
      %mul3A_144 = arith.constant 512 : i32
      %mul3A_145 = arith.muli %add3A_143, %mul3A_144 : i32
      %dma_start3A_146 = arith.constant 1 : i32
      %dma_start3A_147 = arith.constant 1 : i32
      %dma_start3A_148 = arith.constant 0 : i32
      %dma_start3A_149 = tpu.memref_slice %arg11[%dma_start3A_146, %dma_start3A_148] : memref<2x32768xf32, #tpu.memory_space<vmem>> -> memref<1x32768xf32, #tpu.memory_space<vmem>>
      %dma_start3A_150 = tpu.memref_squeeze %dma_start3A_149 : memref<1x32768xf32, #tpu.memory_space<vmem>> -> memref<32768xf32, #tpu.memory_space<vmem>>
      %dma_start3A_151 = tpu.memref_slice %arg6[%mul3A_145] : memref<33554432xf32, #tpu.memory_space<hbm>> -> memref<32768xf32, #tpu.memory_space<hbm>>
      %dma_start3A_152 = tpu.memref_slice %arg13[%dma_start3A_147] : memref<2x!tpu.dma_semaphore, #tpu.memory_space<semaphore_mem>> -> memref<1x!tpu.dma_semaphore, #tpu.memory_space<semaphore_mem>>
      %dma_start3A_153 = tpu.memref_squeeze %dma_start3A_152 : memref<1x!tpu.dma_semaphore, #tpu.memory_space<semaphore_mem>> -> memref<!tpu.dma_semaphore, #tpu.memory_space<semaphore_mem>>
      %dma_start3A_154 = tpu.memref_slice %arg6[%mul3A_145] : memref<33554432xf32, #tpu.memory_space<hbm>> -> memref<32768xf32, #tpu.memory_space<hbm>>
      %dma_start3A_155 = arith.constant 0 : i32
      %dma_start3A_156 = tpu.memref_slice %arg11[%dma_start3A_146, %dma_start3A_155] : memref<2x32768xf32, #tpu.memory_space<vmem>> -> memref<1x32768xf32, #tpu.memory_space<vmem>>
      %dma_start3A_157 = tpu.memref_squeeze %dma_start3A_156 : memref<1x32768xf32, #tpu.memory_space<vmem>> -> memref<32768xf32, #tpu.memory_space<vmem>>
      tpu.enqueue_dma source(%dma_start3A_157 : memref<32768xf32, #tpu.memory_space<vmem>>) target(%dma_start3A_154 : memref<32768xf32, #tpu.memory_space<hbm>>) target_semaphore(%dma_start3A_153 : memref<!tpu.dma_semaphore, #tpu.memory_space<semaphore_mem>>)
      %add3A_158 = arith.constant 2 : i32
      %add3A_159 = arith.addi %add3A_118, %add3A_158 : i32
      %lt3A_160 = arith.constant 32 : i32
      %lt3A_161 = arith.cmpi slt, %add3A_159, %lt3A_160 : i32
      %convert_element_type3A_162 = arith.extui %lt3A_161 : i1 to i32
      %cond3A_163 = arith.constant 0 : i32
      %cond3A_164 = arith.cmpi ne, %convert_element_type3A_162, %cond3A_163 : i32
      scf.if %cond3A_164 {
        %add3A_165 = arith.constant 2 : i32
        %add3A_166 = arith.addi %add3A_118, %add3A_165 : i32
        %mul3A_167 = arith.constant 64 : i32
        %mul3A_168 = arith.muli %add3A_166, %mul3A_167 : i32
        %add3A_169 = arith.addi %mul3A_2, %mul3A_168 : i32
        %mul3A_170 = arith.constant 256 : i32
        %mul3A_171 = arith.muli %add3A_169, %mul3A_170 : i32
        %dma_start3A_172 = arith.constant 1 : i32
        %dma_start3A_173 = arith.constant 1 : i32
        %dma_start3A_174 = arith.constant 0 : i32
        %dma_start3A_175 = tpu.memref_slice %arg10[%dma_start3A_172, %dma_start3A_174] : memref<2x16384xf32, #tpu.memory_space<vmem>> -> memref<1x16384xf32, #tpu.memory_space<vmem>>
        %dma_start3A_176 = tpu.memref_squeeze %dma_start3A_175 : memref<1x16384xf32, #tpu.memory_space<vmem>> -> memref<16384xf32, #tpu.memory_space<vmem>>
        %dma_start3A_177 = tpu.memref_slice %arg2[%mul3A_171] : memref<16777216xf32, #tpu.memory_space<hbm>> -> memref<16384xf32, #tpu.memory_space<hbm>>
        %dma_start3A_178 = tpu.memref_slice %arg12[%dma_start3A_173] : memref<2x!tpu.dma_semaphore, #tpu.memory_space<semaphore_mem>> -> memref<1x!tpu.dma_semaphore, #tpu.memory_space<semaphore_mem>>
        %dma_start3A_179 = tpu.memref_squeeze %dma_start3A_178 : memref<1x!tpu.dma_semaphore, #tpu.memory_space<semaphore_mem>> -> memref<!tpu.dma_semaphore, #tpu.memory_space<semaphore_mem>>
        %dma_start3A_180 = arith.constant 0 : i32
        %dma_start3A_181 = tpu.memref_slice %arg10[%dma_start3A_172, %dma_start3A_180] : memref<2x16384xf32, #tpu.memory_space<vmem>> -> memref<1x16384xf32, #tpu.memory_space<vmem>>
        %dma_start3A_182 = tpu.memref_squeeze %dma_start3A_181 : memref<1x16384xf32, #tpu.memory_space<vmem>> -> memref<16384xf32, #tpu.memory_space<vmem>>
        %dma_start3A_183 = tpu.memref_slice %arg2[%mul3A_171] : memref<16777216xf32, #tpu.memory_space<hbm>> -> memref<16384xf32, #tpu.memory_space<hbm>>
        tpu.enqueue_dma source(%dma_start3A_183 : memref<16384xf32, #tpu.memory_space<hbm>>) target(%dma_start3A_182 : memref<16384xf32, #tpu.memory_space<vmem>>) target_semaphore(%dma_start3A_179 : memref<!tpu.dma_semaphore, #tpu.memory_space<semaphore_mem>>)
      } else {
      }
    }
    %scan3A_38 = arith.constant 16 : i32
    %add3A_39 = arith.constant 1920 : i32
    %add3A_40 = arith.addi %mul3A_2, %add3A_39 : i32
    %mul3A_41 = arith.constant 512 : i32
    %mul3A_42 = arith.muli %add3A_40, %mul3A_41 : i32
    %dma_wait3A = arith.constant 0 : i32
    %dma_wait3A_43 = arith.constant 0 : i32
    %dma_wait3A_44 = arith.constant 0 : i32
    %dma_wait3A_45 = tpu.memref_slice %arg11[%dma_wait3A, %dma_wait3A_44] : memref<2x32768xf32, #tpu.memory_space<vmem>> -> memref<1x32768xf32, #tpu.memory_space<vmem>>
    %dma_wait3A_46 = tpu.memref_squeeze %dma_wait3A_45 : memref<1x32768xf32, #tpu.memory_space<vmem>> -> memref<32768xf32, #tpu.memory_space<vmem>>
    %dma_wait3A_47 = tpu.memref_slice %arg6[%mul3A_42] : memref<33554432xf32, #tpu.memory_space<hbm>> -> memref<32768xf32, #tpu.memory_space<hbm>>
    %dma_wait3A_48 = tpu.memref_slice %arg13[%dma_wait3A_43] : memref<2x!tpu.dma_semaphore, #tpu.memory_space<semaphore_mem>> -> memref<1x!tpu.dma_semaphore, #tpu.memory_space<semaphore_mem>>
    %dma_wait3A_49 = tpu.memref_squeeze %dma_wait3A_48 : memref<1x!tpu.dma_semaphore, #tpu.memory_space<semaphore_mem>> -> memref<!tpu.dma_semaphore, #tpu.memory_space<semaphore_mem>>
    %dma_wait3A_50 = tpu.memref_slice %arg6[%mul3A_42] : memref<33554432xf32, #tpu.memory_space<hbm>> -> memref<32768xf32, #tpu.memory_space<hbm>>
    %dma_wait3A_51 = arith.constant 0 : i32
    %dma_wait3A_52 = tpu.memref_slice %arg11[%dma_wait3A, %dma_wait3A_51] : memref<2x32768xf32, #tpu.memory_space<vmem>> -> memref<1x32768xf32, #tpu.memory_space<vmem>>
    %dma_wait3A_53 = tpu.memref_squeeze %dma_wait3A_52 : memref<1x32768xf32, #tpu.memory_space<vmem>> -> memref<32768xf32, #tpu.memory_space<vmem>>
    tpu.wait_dma2 semaphore(%dma_wait3A_49 : memref<!tpu.dma_semaphore, #tpu.memory_space<semaphore_mem>>) src(%dma_wait3A_53 : memref<32768xf32, #tpu.memory_space<vmem>>) dst(%dma_wait3A_50 : memref<32768xf32, #tpu.memory_space<hbm>>)
    %add3A_54 = arith.constant 1984 : i32
    %add3A_55 = arith.addi %mul3A_2, %add3A_54 : i32
    %mul3A_56 = arith.constant 512 : i32
    %mul3A_57 = arith.muli %add3A_55, %mul3A_56 : i32
    %dma_wait3A_58 = arith.constant 1 : i32
    %dma_wait3A_59 = arith.constant 1 : i32
    %dma_wait3A_60 = arith.constant 0 : i32
    %dma_wait3A_61 = tpu.memref_slice %arg11[%dma_wait3A_58, %dma_wait3A_60] : memref<2x32768xf32, #tpu.memory_space<vmem>> -> memref<1x32768xf32, #tpu.memory_space<vmem>>
    %dma_wait3A_62 = tpu.memref_squeeze %dma_wait3A_61 : memref<1x32768xf32, #tpu.memory_space<vmem>> -> memref<32768xf32, #tpu.memory_space<vmem>>
    %dma_wait3A_63 = tpu.memref_slice %arg6[%mul3A_57] : memref<33554432xf32, #tpu.memory_space<hbm>> -> memref<32768xf32, #tpu.memory_space<hbm>>
    %dma_wait3A_64 = tpu.memref_slice %arg13[%dma_wait3A_59] : memref<2x!tpu.dma_semaphore, #tpu.memory_space<semaphore_mem>> -> memref<1x!tpu.dma_semaphore, #tpu.memory_space<semaphore_mem>>
    %dma_wait3A_65 = tpu.memref_squeeze %dma_wait3A_64 : memref<1x!tpu.dma_semaphore, #tpu.memory_space<semaphore_mem>> -> memref<!tpu.dma_semaphore, #tpu.memory_space<semaphore_mem>>
    %dma_wait3A_66 = tpu.memref_slice %arg6[%mul3A_57] : memref<33554432xf32, #tpu.memory_space<hbm>> -> memref<32768xf32, #tpu.memory_space<hbm>>
    %dma_wait3A_67 = arith.constant 0 : i32
    %dma_wait3A_68 = tpu.memref_slice %arg11[%dma_wait3A_58, %dma_wait3A_67] : memref<2x32768xf32, #tpu.memory_space<vmem>> -> memref<1x32768xf32, #tpu.memory_space<vmem>>
    %dma_wait3A_69 = tpu.memref_squeeze %dma_wait3A_68 : memref<1x32768xf32, #tpu.memory_space<vmem>> -> memref<32768xf32, #tpu.memory_space<vmem>>
    tpu.wait_dma2 semaphore(%dma_wait3A_65 : memref<!tpu.dma_semaphore, #tpu.memory_space<semaphore_mem>>) src(%dma_wait3A_69 : memref<32768xf32, #tpu.memory_space<vmem>>) dst(%dma_wait3A_66 : memref<32768xf32, #tpu.memory_space<hbm>>)
    return
  }
}

</mosaic_0001>

<sc_bundles>
// kernel: kernel.3.cloned.1.call-start
scs
__scs_entry_jumppad:
0x0: {  	(pc) =	sbr.rel $0x88, $3  }
0x1: {  	(tag) =	ssettag $0x0;
	lr =	simm.s32 $0x1  }
0x2: {  	[smem:$0x3F9F] =	sst lr;
	_ =	strace $0xD0000000  }
0x3: {  	_ = 	snop  }
0x4: {  	_ = 	snop  }
0x5: {  	_ = 	snop  }
0x6: {  	_ = 	snop  }
0x7: {  	_ = 	snop  }
__scs_overlays_trampoline_lowered:
0x8: {  	[smem:$0x3FAE] =	sst s0  }
0x9: {  	[smem:$0x3FAF] =	sst s1  }
0xa: {  	[smem:$0x3FB0] =	sst s2  }
0xb: {  	[smem:$0x3FB1] =	sst s3  }
0xc: {  	[smem:$0x3FB2] =	sst s4  }
0xd: {  	[smem:$0x3FB3] =	sst s5  }
0xe: {  	[smem:$0x3FB4] =	sst s6  }
0xf: {  	[smem:$0x3FB5] =	sst s7  }
0x10: {  	[smem:$0x3FB6] =	sst s8  }
0x11: {  	[smem:$0x3FB7] =	sst s9;
	s0 =	simm.s32 @!p0 $0x0  }
0x12: {  	s1 =	sld [smem:$0x3F9D];
	s0 =	simm.s32 @p0 $0x1  }
0x13: {  	[smem:$0x3FB8] =	sst s0;
	s0 =	simm.s32 @!p1 $0x0  }
0x14: {  	s2 =	sld [smem:$0x3F9C];
	s0 =	simm.s32 @p1 $0x1  }
0x15: {  	[smem:$0x3FB9] =	sst s0;
	s0 =	simm.s32 @!p2 $0x0  }
0x16: {  	s3 =	sld [smem:$0x3FDB];
	s0 =	simm.s32 @p2 $0x1  }
0x17: {  	s4 =	simm.s32 $0x1BF5;
	[smem:$0x3FBB] =	sst s0  }
0x18: {  	s0 =	sld [smem:$0x3F9E];
	_ =	swait.ge [sflag:s4], $0x0  }
0x19: {  	s7 =	sld [smem:$0x3F9F]  }
0x1a: {  	s8 =	sadd.s32 $0xFFFFE003, lr  }
0x1b: {  	s9 =	sadd.s32 $0xFFFFFEF7, lr;
	s5 =	simm.s32 $0xFFFFFFFF;
	p2 =	slt.u32 s8, $0xFFFFF086  }
0x1c: {  	p1 =	slt.u32 s9, $0xF7A;
	s5 =	simm.s32 @!p2 $0x0  }
0x1d: {  	s5 =	simm.s32 @p1 $0x1;
	p0 =	seq.s32 s7, s2  }
0x1e: {  	s7 =	smul.u32 @!p0 $0xF7A, s2;
	p2 =	seq.s32 @!p0 s5, $0x0  }
0x1f: {  	s9 =	smul.u32 $0xF7A, s1;
	s8 =	simm.s32 @!p0 $0x1BF5;
	p2 =	por !p2, p0  }
0x20: {  	[sflag:s8] =	ssyncset.s32 @!p0 $0xFFFFF086;
	s6 =	sadd.s32 @!p0 s3, s7;
	s7 =	simm.s32 @!p0 $0x108  }
0x21: {  	s3 =	sadd.s32 s3, s9;
	s6 =	sadd.s32 @!p0 $0x88, s6;
	s7 =	simm.s32 @p2 $0x1082  }
0x22: {  	[simem:s7], [sflag:s8] =	dma.local @!p0 [hbm:s6], $0xF7A  }
0x23: {  	s9 =	sor.u32 $0xD0000000, s2;
	s6 =	simm.s32 $0x108;
	_ =	swait.ge @!p0 [sflag:s8], $0x0  }
0x24: {  	s3 =	sadd.s32 $0x88, s3;
	s6 =	simm.s32 @!p1 $0x1082;
	[sflag:s4] =	ssyncset.s32 $0xFFFFF086  }
0x25: {  	[simem:s6], [sflag:s4] =	dma.local [hbm:s3], $0xF7A  }
0x26: {  	[smem:$0x3F9F] =	sst s1;
	(tag) =	ssettag s2;
	_ =	strace s9  }
0x27: {  	s1 =	sld [smem:$0x3FAF]  }
0x28: {  	s2 =	sld [smem:$0x3FB0]  }
0x29: {  	s4 =	sld [smem:$0x3FB2]  }
0x2a: {  	p0 =	seq.s32 s5, $0x0;
	s5 =	sld [smem:$0x3FB3]  }
0x2b: {  	s6 =	sld [smem:$0x3FB4]  }
0x2c: {  	s7 =	sld [smem:$0x3FB5]  }
0x2d: {  	s3 =	simm.s32 $0x108;
	s8 =	sld [smem:$0x3FB6]  }
0x2e: {  	s3 =	simm.s32 @!p0 $0x1082;
	s9 =	sld [smem:$0x3FB7]  }
0x2f: {  	lr =	sadd.s32 s0, s3;
	s0 =	sld [smem:$0x3FAE]  }
0x30: {  	s3 =	sld [smem:$0x3FB1]  }
0x31: {  	[smem:$0x3FBA] =	sst s10  }
0x32: {  	s10 =	sld [smem:$0x3FB8];
	_ =	sdelay $0x3  }
0x33: {  	p0 =	seq.s32 s10, $0x1;
	s10 =	sld [smem:$0x3FBA];
	_ =	sdelay $0x3  }
0x34: {  	[smem:$0x3FBA] =	sst s10  }
0x35: {  	s10 =	sld [smem:$0x3FB9];
	_ =	sdelay $0x3  }
0x36: {  	p1 =	seq.s32 s10, $0x1;
	s10 =	sld [smem:$0x3FBA];
	_ =	sdelay $0x3  }
0x37: {  	[smem:$0x3FBA] =	sst s10  }
0x38: {  	s10 =	sld [smem:$0x3FBB]  }
0x39: {  	_ = 	snop;
	(pc) =	sbr.ind lr, $3  }
0x3a: {  	_ = 	snop  }
0x3b: {  	_ = 	snop  }
0x3c: {  	p2 =	seq.s32 s10, $0x1;
	s10 =	sld [smem:$0x3FBA]  }
0x3d: {  	_ =	shalt  }
0x3e: {  	_ =	shalt  }
0x3f: {  	_ =	shalt  }
0x40: {  	_ =	shalt  }
0x41: {  	_ =	shalt  }
0x42: {  	_ =	shalt  }
0x43: {  	_ =	shalt  }
0x44: {  	_ =	shalt  }
0x45: {  	_ =	shalt  }
0x46: {  	_ =	shalt  }
0x47: {  	_ =	shalt  }
0x48: {  	_ =	shalt  }
0x49: {  	_ =	shalt  }
0x4a: {  	_ =	shalt  }
0x4b: {  	_ =	shalt  }
0x4c: {  	_ =	shalt  }
0x4d: {  	_ =	shalt  }
0x4e: {  	_ =	shalt  }
0x4f: {  	_ =	shalt  }
0x50: {  	_ =	shalt  }
0x51: {  	_ =	shalt  }
0x52: {  	_ =	shalt  }
0x53: {  	_ =	shalt  }
0x54: {  	_ =	shalt  }
0x55: {  	_ =	shalt  }
0x56: {  	_ =	shalt  }
0x57: {  	_ =	shalt  }
0x58: {  	_ =	shalt  }
0x59: {  	_ =	shalt  }
0x5a: {  	_ =	shalt  }
0x5b: {  	_ =	shalt  }
0x5c: {  	_ =	shalt  }
0x5d: {  	_ =	shalt  }
0x5e: {  	_ =	shalt  }
0x5f: {  	_ =	shalt  }
0x60: {  	_ =	shalt  }
0x61: {  	_ =	shalt  }
0x62: {  	_ =	shalt  }
0x63: {  	_ =	shalt  }
0x64: {  	_ =	shalt  }
0x65: {  	_ =	shalt  }
0x66: {  	_ =	shalt  }
0x67: {  	_ =	shalt  }
0x68: {  	_ =	shalt  }
0x69: {  	_ =	shalt  }
0x6a: {  	_ =	shalt  }
0x6b: {  	_ =	shalt  }
0x6c: {  	_ =	shalt  }
0x6d: {  	_ =	shalt  }
0x6e: {  	_ =	shalt  }
0x6f: {  	_ =	shalt  }
0x70: {  	_ =	shalt  }
0x71: {  	_ =	shalt  }
0x72: {  	_ =	shalt  }
0x73: {  	_ =	shalt  }
0x74: {  	_ =	shalt  }
0x75: {  	_ =	shalt  }
0x76: {  	_ =	shalt  }
0x77: {  	_ =	shalt  }
0x78: {  	_ =	shalt  }
0x79: {  	_ =	shalt  }
0x7a: {  	_ =	shalt  }
0x7b: {  	_ =	shalt  }
0x7c: {  	_ =	shalt  }
0x7d: {  	_ =	shalt  }
0x7e: {  	_ =	shalt  }
0x7f: {  	_ =	shalt  }
0x80: {  	_ =	shalt  }
0x81: {  	_ =	shalt  }
0x82: {  	_ =	shalt  }
0x83: {  	_ =	shalt  }
0x84: {  	_ =	shalt  }
0x85: {  	_ =	shalt  }
0x86: {  	_ =	shalt  }
0x87: {  	_ =	shalt  }
.Lfunc_end0:
.L_simem_size_0:
called_computation_lowered:
.L_overlay_start_0:
0x88: {  	s2 =	sld [smem:$0x3FD9]  }
0x89: {  	s3 =	sld [smem:$0x3FFE];
	_ =	sdelay $0x1  }
0x8a: {  	s1 =	srdreg.scid  }
0x8b: {  	s0 =	sand.u32 $0x1, s1  }
0x8c: {  	s17 =	sshll.u32 s0, $0xA;
	s2 =	sadd.s32 s3, s2  }
0x8d: {  	s2 =	sadd.s32 s2, s17  }
0x8e: {  	[smem:$0x3FC6] =	sst s2  }
0x8f: {  	_ = 	snop  }
0x90: {  	s2 =	sld [smem:$0x3FC9]  }
0x91: {  	s18 =	sld [smem:$0x3FD0];
	(tm) =	ssettm $0x1  }
0x92: {  	s4 =	sld [smem:$0x3FFB];
	_ =	sdelay $0x3  }
0x93: {  	_ =	strace s4  }
0x94: {  	s4 =	sld [smem:$0x3FFC];
	_ =	sdelay $0x3  }
0x95: {  	_ =	strace s4  }
0x96: {  	s4 =	sld [smem:$0x3FFD];
	_ =	sdelay $0x3  }
0x97: {  	_ =	strace s4  }
0x98: {  	_ =	strace $0x8FFFFFFF  }
0x99: {  	s19 =	sld [smem:$0x3FDB];
	_ =	sdelay $0x1  }
0x9a: {  	s5 =	simm.s32 $_scs_section_size  }
0x9b: {  	s6 =	simm.s32 $_size__tile_overlayer_lowered;
	s7 =	simm.s32 $_tile_overlayer_lowered  }
0x9c: {  	s22 =	simm.s32 $0x1BFF;
	s21 =	sshll.u32 s7, $0x1;
	s4 =	sadd.s32 s5, s19  }
0x9d: {  	s8 =	simm.s32 $0x0;
	s20 =	sshll.u32 s6, $0x1;
	s6 =	sadd.s32 s21, s4  }
0x9e: {  	[timem:s8], [sflag:s22] =	dma.local [hbm:s6], s20  }
0x9f: {  	_ =	swait.ge [sflag:s22], s20  }
0xa0: {  	s5 =	ssub.s32 $0x0, s20;
	[sflag:s22] =	ssyncset.done $0x0  }
0xa1: {  	[sflag:s22] =	ssyncadd.s32 s5;
	_ =	sdelay $0x1  }
0xa2: {  	s23 =	simm.s32 $0x1B8B  }
0xa3: {  	_ =	swait.ge [sflag:s23], $0x1  }
0xa4: {  	[sflag:s23] =	ssyncset.done $0x0  }
0xa5: {  	s25 =	simm.s32 $0x1B8E;
	s24 =	sld [smem:$0x3FFE];
	[sflag:s23] =	ssyncadd.s32 $0xFFFFFFFF  }
0xa6: {  	s26 =	simm.s32 $execute0_lowered;
	[smem:$0x3FD2] =	sst s25  }
0xa7: {  	s6 =	sshll.u32 s26, $0x1;
	_ =	strace $0x80000046;
	[dreg:$0x1] =	wrdreg $0xFFFFFFFF  }
0xa8: {  	s28 =	simm.s32 $_size_execute0_lowered;
	s4 =	sadd.s32 s4, s6;
	[dreg:$0x0] =	wrdreg $0x0  }
0xa9: {  	s6 =	sshll.u32 s28, $0x1;
	[dreg:$0x2] =	wrdreg s4  }
0xaa: {  	[dreg:$0x3] =	wrdreg s6  }
0xab: {  	[dreg:$0x4] =	wrdreg $0xC0  }
0xac: {  	_ =	task [dreg:s8], $0x5FFFF  }
0xad: {  	[dreg:$0x1] =	wrdreg $0xFFFFFFFF  }
0xae: {  	[dreg:$0x0] =	wrdreg $0x60  }
0xaf: {  	[dreg:$0x2] =	wrdreg s2  }
0xb0: {  	[dreg:$0x3] =	wrdreg s18  }
0xb1: {  	[dreg:$0x4] =	wrdreg s24  }
0xb2: {  	[dreg:$0x5] =	wrdreg $0x9  }
0xb3: {  	_ =	task.clear_ibuf [dreg:s8], $0x6FFFF;
	_ =	strace $0x90000046  }
0xb4: {  	s29 =	simm.s32 $0x9;
	_ =	strace $0x80000048  }
0xb5: {  	_ =	swait.ge [sflag:s29], $0x1  }
0xb6: {  	[sflag:s29] =	ssyncadd.s32 $0xFFFFFFFF  }
0xb7: {  	_ =	strace $0x90000048  }
0xb8: {  	_ =	sfence  }
0xb9: {  	s30 =	sld [smem:$0x0];
	_ =	sdelay $0x2  }
0xba: {  	s31 =	sshll.u32 s1, $0xD;
	s1 =	sshrl.u32 s1, $0x2  }
0xbb: {  	s3 =	sand.u32 $0x4000, s31;
	s1 =	sadd.s32 s1, s30  }
0xbc: {  	s0 =	sor.u32 s3, s0;
	s1 =	sshll.u32 s1, $0x11  }
0xbd: {  	s0 =	sor.u32 s1, s0  }
0xbe: {  	s0 =	sadd.s32 $0x8F2B, s0  }
0xbf: {  	[sflag:s0] =	ssyncadd.remote.s32 $0x1  }
0xc0: {  	_ =	sfence.sel $0xFFFF  }
0xc1: {  	[dreg:$0x0] =	wrdreg $0xFFFFFFFF;
	(pc) =	sbr.abs _section_cstart, $3  }
0xc2: {  	[dreg:$0x1] =	wrdreg $0xFFFFFFFF  }
0xc3: {  	_ =	task.clear_ibuf [dreg:s8], $0x2FFFF;
	_ =	strace $0x9FFFFFFF  }
0xc4: {  	(tm) =	ssettm $0x7FFFFFFF  }
0xc5: {  	_ =	shalt  }
tec
execute0_lowered:
.L_overlay_start_1:
0x0: {  	(tag) =	ssettag $0x1  }
0x1: {  	s6 =	rddreg [dreg:$0x0]  }
0x2: {  	s1 =	rddreg [dreg:$0x1]  }
0x3: {  	s7 =	rddreg [dreg:$0x2]  }
0x4: {  	s0 =	rddreg [dreg:$0x3];
	s3 =	simm.s32 $0x0  }
0x5: {  	s4 =	srdreg.scid;
	s2 =	stileid.u32;
	s12 =	simm.s32 $0x5  }
0x6: {  	s13 =	simm.s32 $0x480;
	s14 =	simm.s32 $0x900;
	s15 =	simm.s32 $0x1  }
0x7: {  	s16 =	simm.s32 $0x2;
	s17 =	simm.s32 $0x3;
	s18 =	simm.s32 $0x4  }
0x8: {  	s19 =	simm.s32 $0x0;
	[smem:$0x7FF] =	sst s3;
	s8 =	sand.u32 $0x1, s4  }
0x9: {  	s5 =	sshll.u32 s2, $0x1;
	s4 =	sadd.s32 $0x800, s7;
	_ =	strace $0x80000047  }
.Ltmp0:
0xa: {  	s9 =	sor.u32 s8, s5;
	s5 =	sadd.s32 $0x600, s7;
	(pc) =	sbr.rel .LBB2_1-.Ltmp0, $4  }
0xb: {  	s8 =	ssub.s32 $0x2, s8;
	s10 =	sshll.u32 s9, $0x10;
	s9 =	sshll.u32 s9, $0x11  }
0xc: {  	s11 =	sshrl.u32 s8, $0x1;
	s6 =	sadd.s32 s6, s10;
	s9 =	sadd.s32 s9, s7  }
0xd: {  	s11 =	ssub.s32 s8, s11;
	s7 =	sadd.s32 $0x800, s6;
	s8 =	sadd.s32 $0xA00, s9  }
0xe: {  	s9 =	sadd.s32 $0x1000, s6;
	s10 =	sadd.s32 $0x1800, s6;
	s11 =	smax.u32 s11, $0x1  }
.LBB2_18:
0xf: {  	s19 =	sadd.s32 $0x1, s19  }
0x10: {  	_ =	swait.ge [sflag:s17], $0x8000;
	p0 =	sne.s32 s19, s11  }
.Ltmp1:
0x11: {  	[sflag:s17] =	ssyncset.done $0x0;
	(pc) =	sbr.rel @!p0 .LBB2_19-.Ltmp1, $4  }
0x12: {  	[sflag:s17] =	ssyncadd.s32 $0xFFFF8000  }
0x13: {  	_ =	swait.ge [sflag:s18], $0x8000  }
0x14: {  	[sflag:s18] =	ssyncset.done $0x0  }
0x15: {  	[sflag:s18] =	ssyncadd.s32 $0xFFFF8000  }
.LBB2_1:
0x16: {  	[tilespmem:s3], [sflag:$0x5] =	stream.linear.gather [hbm4b:s1+s3], $0x480, $0x38;
	[tilespmem:$0x18D80] =	vst v63  }
0x17: {  	_ =	swait.ge [sflag:s12], $0x480  }
0x18: {  	[sflag:s12] =	ssyncset.done $0x0  }
0x19: {  	[sflag:s12] =	ssyncadd.s32 $0xFFFFFB80  }
0x1a: {  	[tilespmem:s13], [sflag:$0x5] =	stream.linear.gather [hbm4b:s4+s3], $0x480, $0x38;
	[tilespmem:$0x18D80] =	vst v63  }
0x1b: {  	_ =	swait.ge [sflag:s12], $0x480  }
0x1c: {  	[sflag:s12] =	ssyncset.done $0x0  }
0x1d: {  	[sflag:s12] =	ssyncadd.s32 $0xFFFFFB80  }
0x1e: {  	[tilespmem:s14], [sflag:$0x5] =	stream.linear.gather [hbm4b:s5+s3], $0x480, $0x38;
	[tilespmem:$0x18D80] =	vst v63  }
0x1f: {  	_ =	swait.ge [sflag:s12], $0x480  }
0x20: {  	s20 =	simm.s32 $0xD80;
	s21 =	simm.s32 $0x10;
	[sflag:s12] =	ssyncset.done $0x0  }
0x21: {  	s23 =	sadd.s32 $0x0, s6;
	s22 =	simm.s32 $0xE80;
	[sflag:s12] =	ssyncadd.s32 $0xFFFFFB80  }
.LBB2_2:
0x22: {  	[tilespmem:s20], [sflag:$0x1] =	stream.linear.gather [hbm4b:s23+s3], $0x80, $0x38;
	[tilespmem:$0x18D80] =	vst v63  }
0x23: {  	s23 =	smov.u32 s21;
	s20 =	smov.u32 s22;
	p0 =	sne.s32 s21, $0x7F0  }
.Ltmp2:
0x24: {  	s21 =	sadd.s32 $0x10, s21;
	(pc) =	sbr.rel @p0 .LBB2_2-.Ltmp2, $2  }
0x25: {  	_ =	sdelay $0x2  }
0x26: {  	s22 =	sadd.s32 $0x100, s22;
	s23 =	sadd.s32 s23, s6  }
0x27: {  	[tilespmem:s20], [sflag:$0x1] =	stream.linear.gather [hbm4b:s23+s3], $0x80, $0x38;
	[tilespmem:$0x18D80] =	vst v63  }
0x28: {  	s20 =	simm.s32 $0x0;
	s21 =	simm.s32 $0xE00  }
0x29: {  	s22 =	simm.s32 $0x10;
	s24 =	sadd.s32 $0x0, s7;
	s23 =	simm.s32 $0xF00  }
.LBB2_4:
0x2a: {  	[tilespmem:s21], [sflag:$0x2] =	stream.linear.gather [hbm4b:s24+s20], $0x80, $0x38;
	[tilespmem:$0x18D80] =	vst v63  }
0x2b: {  	s24 =	smov.u32 s22;
	s21 =	smov.u32 s23;
	p0 =	sne.s32 s22, $0x7F0  }
.Ltmp3:
0x2c: {  	s22 =	sadd.s32 $0x10, s22;
	(pc) =	sbr.rel @p0 .LBB2_4-.Ltmp3, $2  }
0x2d: {  	_ =	sdelay $0x2  }
0x2e: {  	s23 =	sadd.s32 $0x100, s23;
	s24 =	sadd.s32 s24, s7  }
0x2f: {  	[tilespmem:s21], [sflag:$0x2] =	stream.linear.gather [hbm4b:s24+s20], $0x80, $0x38;
	[tilespmem:$0x18D80] =	vst v63  }
.LBB2_6:
0x30: {  	_ =	swait.ge [sflag:s15], $0x4000  }
0x31: {  	p0 =	seq.s32 s20, $0x0;
	[sflag:s15] =	ssyncset.done $0x0  }
0x32: {  	s23 =	simm.s32 @!p0 $0x3;
	[sflag:s15] =	ssyncadd.s32 $0xFFFFC000  }
0x33: {  	_ =	swait.ge @!p0 [sflag:s23], $0x8000  }
0x34: {  	s21 =	sshll.u32 s20, $0xC;
	s22 =	sshll.u32 s20, $0xD;
	[sflag:s23] =	ssyncset.done @!p0 $0x0  }
0x35: {  	s24 =	simm.s32 $0x8D80;
	[sflag:s23] =	ssyncadd.s32 @!p0 $0xFFFF8000;
	s23 =	sadd.s32 s22, s8  }
0x36: {  	s25 =	simm.s32 $0x10;
	s26 =	simm.s32 $0x8E80;
	s28 =	sadd.s32 $0x0, s23  }
.LBB2_7:
0x37: {  	[hbm4b:s28+s3] =	stream.linear.scatter [tilespmem:s24], [sflag:$0x3], $0x80, $0x38;
	[tilespmem:$0x18D80] =	vst v63  }
0x38: {  	s28 =	smov.u32 s25;
	s24 =	smov.u32 s26;
	p1 =	sne.s32 s25, $0xFF0  }
.Ltmp4:
0x39: {  	s25 =	sadd.s32 $0x10, s25;
	(pc) =	sbr.rel @p1 .LBB2_7-.Ltmp4, $2  }
0x3a: {  	_ =	sdelay $0x2  }
0x3b: {  	s26 =	sadd.s32 $0x100, s26;
	s28 =	sadd.s32 s28, s23  }
0x3c: {  	p1 =	seq.s32 s20, $0xF  }
.Ltmp5:
0x3d: {  	_ = 	snop;
	(pc) =	sbr.rel @p1 .LBB2_12-.Ltmp5, $2  }
0x3e: {  	_ =	sdelay $0x2  }
0x3f: {  	[hbm4b:s28+s3] =	stream.linear.scatter [tilespmem:s24], [sflag:$0x3], $0x80, $0x38;
	[tilespmem:$0x18D80] =	vst v63  }
0x40: {  	s23 =	sadd.s32 s21, s9;
	s24 =	simm.s32 $0xD80  }
0x41: {  	s25 =	simm.s32 $0x10;
	s26 =	simm.s32 $0xE80;
	s28 =	sadd.s32 $0x0, s23  }
.LBB2_10:
0x42: {  	[tilespmem:s24], [sflag:$0x1] =	stream.linear.gather [hbm4b:s28+s3], $0x80, $0x38;
	[tilespmem:$0x18D80] =	vst v63  }
0x43: {  	s28 =	smov.u32 s25;
	s24 =	smov.u32 s26;
	p2 =	sne.s32 s25, $0x7F0  }
.Ltmp6:
0x44: {  	s25 =	sadd.s32 $0x10, s25;
	(pc) =	sbr.rel @p2 .LBB2_10-.Ltmp6, $2  }
0x45: {  	_ =	sdelay $0x2  }
0x46: {  	s26 =	sadd.s32 $0x100, s26;
	s28 =	sadd.s32 s28, s23  }
0x47: {  	[tilespmem:s24], [sflag:$0x1] =	stream.linear.gather [hbm4b:s28+s3], $0x80, $0x38;
	[tilespmem:$0x18D80] =	vst v63  }
.LBB2_12:
0x48: {  	_ =	swait.ge [sflag:s16], $0x4000  }
0x49: {  	[sflag:s16] =	ssyncset.done $0x0  }
0x4a: {  	s23 =	simm.s32 @!p0 $0x4;
	[sflag:s16] =	ssyncadd.s32 $0xFFFFC000  }
0x4b: {  	s22 =	sor.u32 $0x1000, s22;
	s24 =	simm.s32 $0x10;
	_ =	swait.ge @!p0 [sflag:s23], $0x8000  }
0x4c: {  	s25 =	simm.s32 $0x8F00;
	s22 =	sadd.s32 s22, s8;
	[sflag:s23] =	ssyncset.done @!p0 $0x0  }
0x4d: {  	s26 =	sadd.s32 $0x0, s22;
	[sflag:s23] =	ssyncadd.s32 @!p0 $0xFFFF8000;
	s23 =	simm.s32 $0x8E00  }
.LBB2_13:
0x4e: {  	[hbm4b:s26+s3] =	stream.linear.scatter [tilespmem:s23], [sflag:$0x4], $0x80, $0x38;
	[tilespmem:$0x18D80] =	vst v63  }
0x4f: {  	s26 =	smov.u32 s24;
	s23 =	smov.u32 s25;
	p0 =	sne.s32 s24, $0xFF0  }
.Ltmp7:
0x50: {  	s24 =	sadd.s32 $0x10, s24;
	(pc) =	sbr.rel @p0 .LBB2_13-.Ltmp7, $2  }
0x51: {  	_ =	sdelay $0x2  }
0x52: {  	s25 =	sadd.s32 $0x100, s25;
	s26 =	sadd.s32 s26, s22  }
.Ltmp8:
0x53: {  	(pc) =	sbr.rel @p1 .LBB2_18-.Ltmp8, $2  }
0x54: {  	_ =	sdelay $0x2  }
0x55: {  	[hbm4b:s26+s3] =	stream.linear.scatter [tilespmem:s23], [sflag:$0x4], $0x80, $0x38;
	[tilespmem:$0x18D80] =	vst v63  }
0x56: {  	s21 =	sadd.s32 s21, s10;
	s22 =	simm.s32 $0xE00  }
0x57: {  	s23 =	simm.s32 $0x10;
	s24 =	simm.s32 $0xF00;
	s25 =	sadd.s32 $0x0, s21  }
.LBB2_16:
0x58: {  	[tilespmem:s22], [sflag:$0x2] =	stream.linear.gather [hbm4b:s25+s3], $0x80, $0x38;
	[tilespmem:$0x18D80] =	vst v63  }
0x59: {  	s25 =	smov.u32 s23;
	s22 =	smov.u32 s24;
	p0 =	sne.s32 s23, $0x7F0  }
.Ltmp9:
0x5a: {  	s23 =	sadd.s32 $0x10, s23;
	(pc) =	sbr.rel @p0 .LBB2_16-.Ltmp9, $2  }
0x5b: {  	_ =	sdelay $0x2  }
0x5c: {  	s24 =	sadd.s32 $0x100, s24;
	s25 =	sadd.s32 s25, s21  }
.Ltmp10:
0x5d: {  	(pc) =	sbr.rel .LBB2_6-.Ltmp10, $3  }
0x5e: {  	_ =	sdelay $0x1  }
0x5f: {  	[tilespmem:s22], [sflag:$0x2] =	stream.linear.gather [hbm4b:s25+s3], $0x80, $0x38;
	[tilespmem:$0x18D80] =	vst v63  }
0x60: {  	s20 =	sadd.s32 $0x1, s20  }
.LBB2_19:
0x61: {  	_ =	sfence.sel $0x180000  }
0x62: {  	[bflag:$0x0] =	sbarrier.arrive $0xFFFF  }
0x63: {  	p0 =	sne.s32 s2, $0x0;
	_ =	strace $0x90000047  }
0x64: {  	s0 =	sadd.s32 @!p0 $0x100000, s0;
	[bflag:$0x2] =	sbarrier.arrive $0xFFFF  }
0x65: {  	[sflag:s0] =	ssyncadd.tile.s32 @!p0 $0x1;
	_ =	shalt  }
.Lfunc_end2:
_tile_overlayer_lowered:
.L_overlay_start_2:
0x66: {  	(tag) =	ssettag $0x2  }
0x67: {  	s0 =	rddreg [dreg:$0x0];
	s2 =	stileid.u32  }
0x68: {  	s1 =	rddreg [dreg:$0x1];
	p0 =	sne.s32 s2, $0x0  }
0x69: {  	s3 =	rddreg [dreg:$0x2];
	[bflag:$0x3] =	sbarrier.arrive $0xFFFF;
	s2 =	simm.s32 @!p0 $0x1C05  }
0x6a: {  	[timem:s3], [sflag:s2] =	dma.local @!p0 [hbm:s0], s1  }
0x6b: {  	s0 =	simm.s32 @!p0 $0x5  }
0x6c: {  	_ =	swait.ge @!p0 [sflag:s0], s1  }
0x6d: {  	s1 =	ssub.s32 @!p0 $0x0, s1;
	[sflag:s0] =	ssyncset.done @!p0 $0x0  }
0x6e: {  	[sflag:s0] =	ssyncadd.s32 @!p0 s1  }
0x6f: {  	[bflag:$0x3] =	sbarrier.arrive $0xFFFF  }
0x70: {  	_ =	shalt  }

</sc_bundles>
